<compile_context>
chip_gen: v7x
topology: tpu7x:2x2x1
jax: 0.10.2.dev20260603
libtpu: 0.0.44.dev20260713+nightly
codegen_flags: <defaults>
</compile_context>

<pallas_src>
import functools

import jax
import jax.numpy as jnp
from jax import lax
from jax.experimental import pallas as pl
from jax.experimental.pallas import tpu as pltpu
from jax.experimental.pallas import tpu_sc as plsc

NUM_POSITIONS = 1024
HIDDEN = 768
BATCH = 64
SEQ = 1024

NC = 2
NS = 16
NW = NC * NS

TOTAL = BATCH * SEQ
BPW = TOTAL // NW
CHUNK = 64
NCHUNK = BPW // CHUNK

_mesh = plsc.VectorSubcoreMesh(core_axis_name="c", subcore_axis_name="s")


@functools.partial(
    pl.kernel,
    mesh=_mesh,
    out_type=jax.ShapeDtypeStruct((TOTAL, HIDDEN), jnp.float32),
    scratch_types=[
        pltpu.VMEM((NCHUNK, CHUNK), jnp.int32),
        pltpu.VMEM((2, CHUNK, HIDDEN), jnp.float32),
        pltpu.SemaphoreType.DMA,
        pltpu.SemaphoreType.DMA,
        pltpu.SemaphoreType.DMA,
        pltpu.SemaphoreType.DMA,
    ],
)
def _gather_rows(ids_hbm, table_hbm, out_hbm, idx_v, rows_v, g0, g1, w0, w1):
    wid = lax.axis_index("s") * NC + lax.axis_index("c")
    base = wid * BPW
    gs = (g0, g1)
    ws = (w0, w1)
    pltpu.sync_copy(ids_hbm.at[wid], idx_v)

    def start_gather(ci, b):
        pltpu.async_copy(table_hbm.at[idx_v.at[ci]], rows_v.at[b], gs[b])

    def wait_gather(b):
        pltpu.make_async_copy(
            table_hbm.at[idx_v.at[0]], rows_v.at[b], gs[b]).wait()

    def start_write(ci, b):
        pltpu.async_copy(
            rows_v.at[b], out_hbm.at[pl.ds(base + ci * CHUNK, CHUNK)], ws[b])

    def wait_write(b):
        pltpu.make_async_copy(
            rows_v.at[b], out_hbm.at[pl.ds(base, CHUNK)], ws[b]).wait()

    def step(o, carry):
        later = o > 0

        @pl.when(later)
        def _():
            wait_write(0)

        start_gather(2 * o, 0)

        @pl.when(later)
        def _():
            wait_gather(1)
            start_write(2 * o - 1, 1)

        @pl.when(later)
        def _():
            wait_write(1)

        start_gather(2 * o + 1, 1)
        wait_gather(0)
        start_write(2 * o, 0)
        return carry

    lax.fori_loop(0, NCHUNK // 2, step, 0)
    wait_gather(1)
    start_write(NCHUNK - 1, 1)
    wait_write(0)
    wait_write(1)


def kernel(position_ids, table):
    ids = jnp.reshape(position_ids.astype(jnp.int32), (NW, NCHUNK, CHUNK))
    out = _gather_rows(ids, table)
    return jnp.reshape(out, (BATCH, SEQ, HIDDEN))

# --- scband reference (transcript-rebuilt; emitter-appended) ---
"""Pipeline reference for scband-cuda-vision-position-embed-80805514707661 (READ-ONLY COPY).

The authoritative reference and input builder live on the scoring server;
editing this copy changes nothing except your own understanding.
"""

import jax, jax.numpy as jnp
import numpy as np

NUM_POSITIONS = 1024
HIDDEN_SIZE = 768
BATCH = 64
SEQ = 1024

def setup_inputs(seed: int = 0) -> dict:
    key = jax.random.key(seed)
    k_ids, k_tab = jax.random.split(key)
    position_ids = jax.random.randint(k_ids, (BATCH, SEQ), 0, NUM_POSITIONS, dtype=jnp.int64 if jax.config.read('jax_enable_x64') else jnp.int32)
    table = jax.random.normal(k_tab, (NUM_POSITIONS, HIDDEN_SIZE), dtype=jnp.float32) * 0.02
    return {"position_ids": position_ids, "table": table}

def reference(position_ids, table):
    # Embedding lookup: gather rows of the positional table.
    return jnp.take(table, position_ids, axis=0)

if __name__ == "__main__":
    import jax
    _d = setup_inputs()
    print(jax.jit(kernel)(*tuple(_d.values())))

</pallas_src>

<mosaic_0001>
#map = affine_map<(d0, d1) -> (0, 0, 0)>
#map1 = affine_map<(d0, d1) -> (0, 0)>
module attributes {stable_mosaic.version = 14 : i64} {
  func.func @_gather_rows(%arg0: i32, %arg1: i32, %arg2: memref<32x32x64xi32, #tpu.memory_space<hbm>>, %arg3: memref<1024x768xf32, #tpu.memory_space<hbm>>, %arg4: memref<65536x768xf32, #tpu.memory_space<hbm>>, %arg5: memref<32x64xi32, #tpu.memory_space<vmem>>, %arg6: memref<2x64x768xf32, #tpu.memory_space<vmem>>, %arg7: memref<!tpu.dma_semaphore, #tpu.memory_space<semaphore_mem>>, %arg8: memref<!tpu.dma_semaphore, #tpu.memory_space<semaphore_mem>>, %arg9: memref<!tpu.dma_semaphore, #tpu.memory_space<semaphore_mem>>, %arg10: memref<!tpu.dma_semaphore, #tpu.memory_space<semaphore_mem>>) attributes {dimension_semantics = [#tpu.dimension_semantics<core_parallel>, #tpu.dimension_semantics<subcore_parallel>], iteration_bounds = array<i64: 2, 16>, scalar_prefetch = 0 : i64, scratch_operands = 6 : i64, tpu.core_type = #tpu.core_type<sc_vector_subcore>, window_params = [{transform_indices = #map}, {transform_indices = #map1}, {transform_indices = #map1}]} {
    %mul3A = arith.constant 2 : i32
    %mul3A_0 = arith.muli %arg1, %mul3A : i32
    %add3A = arith.addi %mul3A_0, %arg0 : i32
    %mul3A_1 = arith.constant 2048 : i32
    %mul3A_2 = arith.muli %add3A, %mul3A_1 : i32
    "tpu.region"() ({
      %run_scoped3A = tpu.sem_alloc : memref<!tpu.dma_semaphore, #tpu.memory_space<semaphore_mem>>
      %dma_start3A_59 = arith.constant 0 : i32
      %dma_start3A_60 = arith.constant 0 : i32
      %dma_start3A_61 = tpu.memref_slice %arg2[%add3A, %dma_start3A_59, %dma_start3A_60] : memref<32x32x64xi32, #tpu.memory_space<hbm>> -> memref<1x32x64xi32, #tpu.memory_space<hbm>>
      %dma_start3A_62 = tpu.memref_squeeze %dma_start3A_61 : memref<1x32x64xi32, #tpu.memory_space<hbm>> -> memref<32x64xi32, #tpu.memory_space<hbm>>
      %dma_start3A_63 = arith.constant 0 : i32
      %dma_start3A_64 = arith.constant 0 : i32
      %dma_start3A_65 = tpu.memref_slice %arg2[%add3A, %dma_start3A_63, %dma_start3A_64] : memref<32x32x64xi32, #tpu.memory_space<hbm>> -> memref<1x32x64xi32, #tpu.memory_space<hbm>>
      %dma_start3A_66 = tpu.memref_squeeze %dma_start3A_65 : memref<1x32x64xi32, #tpu.memory_space<hbm>> -> memref<32x64xi32, #tpu.memory_space<hbm>>
      tpu.enqueue_dma source(%dma_start3A_66 : memref<32x64xi32, #tpu.memory_space<hbm>>) target(%arg5 : memref<32x64xi32, #tpu.memory_space<vmem>>) target_semaphore(%run_scoped3A : memref<!tpu.dma_semaphore, #tpu.memory_space<semaphore_mem>>)
      %dma_wait3A_67 = arith.constant 0 : i32
      %dma_wait3A_68 = arith.constant 0 : i32
      %dma_wait3A_69 = tpu.memref_slice %arg2[%add3A, %dma_wait3A_67, %dma_wait3A_68] : memref<32x32x64xi32, #tpu.memory_space<hbm>> -> memref<1x32x64xi32, #tpu.memory_space<hbm>>
      %dma_wait3A_70 = tpu.memref_squeeze %dma_wait3A_69 : memref<1x32x64xi32, #tpu.memory_space<hbm>> -> memref<32x64xi32, #tpu.memory_space<hbm>>
      %dma_wait3A_71 = arith.constant 0 : i32
      %dma_wait3A_72 = arith.constant 0 : i32
      %dma_wait3A_73 = tpu.memref_slice %arg2[%add3A, %dma_wait3A_71, %dma_wait3A_72] : memref<32x32x64xi32, #tpu.memory_space<hbm>> -> memref<1x32x64xi32, #tpu.memory_space<hbm>>
      %dma_wait3A_74 = tpu.memref_squeeze %dma_wait3A_73 : memref<1x32x64xi32, #tpu.memory_space<hbm>> -> memref<32x64xi32, #tpu.memory_space<hbm>>
      tpu.wait_dma2 semaphore(%run_scoped3A : memref<!tpu.dma_semaphore, #tpu.memory_space<semaphore_mem>>) src(%dma_wait3A_74 : memref<32x64xi32, #tpu.memory_space<hbm>>) dst(%arg5 : memref<32x64xi32, #tpu.memory_space<vmem>>)
      tpu.yield
    }) : () -> ()
    %scan3A = arith.constant 0 : i32
    %scan3A_3 = arith.constant 0 : i32
    %scan3A_4 = arith.constant 16 : i32
    %scan3A_5 = arith.addi %scan3A_3, %scan3A_4 : i32
    %scan3A_6 = arith.constant 1 : i32
    scf.for %scan3A_59 = %scan3A_3 to %scan3A_5 step %scan3A_6  : i32 {
      %gt3A = arith.constant 0 : i32
      %gt3A_60 = arith.cmpi sgt, %scan3A_59, %gt3A : i32
      %convert_element_type3A = arith.extui %gt3A_60 : i1 to i32
      %cond3A = arith.constant 0 : i32
      %cond3A_61 = arith.cmpi ne, %convert_element_type3A, %cond3A : i32
      scf.if %cond3A_61 {
        %dma_wait3A_126 = arith.constant 0 : i32
        %dma_wait3A_127 = arith.constant 0 : i32
        %dma_wait3A_128 = arith.constant 0 : i32
        %dma_wait3A_129 = tpu.memref_slice %arg6[%dma_wait3A_126, %dma_wait3A_127, %dma_wait3A_128] : memref<2x64x768xf32, #tpu.memory_space<vmem>> -> memref<1x64x768xf32, #tpu.memory_space<vmem>>
        %dma_wait3A_130 = tpu.memref_squeeze %dma_wait3A_129 : memref<1x64x768xf32, #tpu.memory_space<vmem>> -> memref<64x768xf32, #tpu.memory_space<vmem>>
        %dma_wait3A_131 = arith.constant 0 : i32
        %dma_wait3A_132 = tpu.memref_slice %arg4[%mul3A_2, %dma_wait3A_131] : memref<65536x768xf32, #tpu.memory_space<hbm>> -> memref<64x768xf32, #tpu.memory_space<hbm>>
        %dma_wait3A_133 = arith.constant 0 : i32
        %dma_wait3A_134 = tpu.memref_slice %arg4[%mul3A_2, %dma_wait3A_133] : memref<65536x768xf32, #tpu.memory_space<hbm>> -> memref<64x768xf32, #tpu.memory_space<hbm>>
        %dma_wait3A_135 = arith.constant 0 : i32
        %dma_wait3A_136 = arith.constant 0 : i32
        %dma_wait3A_137 = tpu.memref_slice %arg6[%dma_wait3A_126, %dma_wait3A_135, %dma_wait3A_136] : memref<2x64x768xf32, #tpu.memory_space<vmem>> -> memref<1x64x768xf32, #tpu.memory_space<vmem>>
        %dma_wait3A_138 = tpu.memref_squeeze %dma_wait3A_137 : memref<1x64x768xf32, #tpu.memory_space<vmem>> -> memref<64x768xf32, #tpu.memory_space<vmem>>
        tpu.wait_dma2 semaphore(%arg9 : memref<!tpu.dma_semaphore, #tpu.memory_space<semaphore_mem>>) src(%dma_wait3A_138 : memref<64x768xf32, #tpu.memory_space<vmem>>) dst(%dma_wait3A_134 : memref<64x768xf32, #tpu.memory_space<hbm>>)
      } else {
      }
      %mul3A_62 = arith.constant 2 : i32
      %mul3A_63 = arith.muli %mul3A_62, %scan3A_59 : i32
      %dma_start3A_64 = arith.constant 0 : i32
      %dma_start3A_65 = arith.constant 0 : i32
      %dma_start3A_66 = arith.constant 0 : i32
      %dma_start3A_67 = tpu.memref_slice %arg6[%dma_start3A_64, %dma_start3A_65, %dma_start3A_66] : memref<2x64x768xf32, #tpu.memory_space<vmem>> -> memref<1x64x768xf32, #tpu.memory_space<vmem>>
      %dma_start3A_68 = tpu.memref_squeeze %dma_start3A_67 : memref<1x64x768xf32, #tpu.memory_space<vmem>> -> memref<64x768xf32, #tpu.memory_space<vmem>>
      %dma_start3A_69 = arith.constant 0 : i32
      %dma_start3A_70 = tpu.memref_slice %arg5[%mul3A_63, %dma_start3A_69] : memref<32x64xi32, #tpu.memory_space<vmem>> -> memref<1x64xi32, #tpu.memory_space<vmem>>
      %dma_start3A_71 = tpu.memref_squeeze %dma_start3A_70 : memref<1x64xi32, #tpu.memory_space<vmem>> -> memref<64xi32, #tpu.memory_space<vmem>>
      %dma_start3A_72 = arith.constant 0 : i32
      %dma_start3A_73 = arith.constant 0 : i32
      %dma_start3A_74 = tpu.memref_slice %arg3[%dma_start3A_72, %dma_start3A_73] : memref<1024x768xf32, #tpu.memory_space<hbm>> -> memref<1024x768xf32, #tpu.memory_space<hbm>>
      tpu.enqueue_indirect_dma source(%dma_start3A_74 : memref<1024x768xf32, #tpu.memory_space<hbm>>) target(%dma_start3A_68 : memref<64x768xf32, #tpu.memory_space<vmem>>) offsets(%dma_start3A_71 : memref<64xi32, #tpu.memory_space<vmem>>) semaphore(%arg7 : memref<!tpu.dma_semaphore, #tpu.memory_space<semaphore_mem>>)
      %convert_element_type3A_75 = arith.extui %gt3A_60 : i1 to i32
      %cond3A_76 = arith.constant 0 : i32
      %cond3A_77 = arith.cmpi ne, %convert_element_type3A_75, %cond3A_76 : i32
      scf.if %cond3A_77 {
        %dma_wait3A_126 = arith.constant 0 : i32
        %dma_wait3A_127 = arith.constant 1 : i32
        %dma_wait3A_128 = arith.constant 0 : i32
        %dma_wait3A_129 = arith.constant 0 : i32
        %dma_wait3A_130 = tpu.memref_slice %arg6[%dma_wait3A_127, %dma_wait3A_128, %dma_wait3A_129] : memref<2x64x768xf32, #tpu.memory_space<vmem>> -> memref<1x64x768xf32, #tpu.memory_space<vmem>>
        %dma_wait3A_131 = tpu.memref_squeeze %dma_wait3A_130 : memref<1x64x768xf32, #tpu.memory_space<vmem>> -> memref<64x768xf32, #tpu.memory_space<vmem>>
        %dma_wait3A_132 = arith.constant 0 : i32
        %dma_wait3A_133 = tpu.memref_slice %arg5[%dma_wait3A_126, %dma_wait3A_132] : memref<32x64xi32, #tpu.memory_space<vmem>> -> memref<1x64xi32, #tpu.memory_space<vmem>>
        %dma_wait3A_134 = tpu.memref_squeeze %dma_wait3A_133 : memref<1x64xi32, #tpu.memory_space<vmem>> -> memref<64xi32, #tpu.memory_space<vmem>>
        %dma_wait3A_135 = arith.constant 0 : i32
        %dma_wait3A_136 = arith.constant 0 : i32
        %dma_wait3A_137 = tpu.memref_slice %arg3[%dma_wait3A_135, %dma_wait3A_136] : memref<1024x768xf32, #tpu.memory_space<hbm>> -> memref<1024x768xf32, #tpu.memory_space<hbm>>
        tpu.wait_indirect_dma semaphore(%arg8 : memref<!tpu.dma_semaphore, #tpu.memory_space<semaphore_mem>>) src(%dma_wait3A_137 : memref<1024x768xf32, #tpu.memory_space<hbm>>) dst(%dma_wait3A_131 : memref<64x768xf32, #tpu.memory_space<vmem>>)
        %mul3A_138 = arith.constant 2 : i32
        %mul3A_139 = arith.muli %mul3A_138, %scan3A_59 : i32
        %sub3A = arith.constant 1 : i32
        %sub3A_140 = arith.subi %mul3A_139, %sub3A : i32
        %mul3A_141 = arith.constant 64 : i32
        %mul3A_142 = arith.muli %sub3A_140, %mul3A_141 : i32
        %add3A_143 = arith.addi %mul3A_2, %mul3A_142 : i32
        %dma_start3A_144 = arith.constant 1 : i32
        %dma_start3A_145 = arith.constant 0 : i32
        %dma_start3A_146 = arith.constant 0 : i32
        %dma_start3A_147 = tpu.memref_slice %arg6[%dma_start3A_144, %dma_start3A_145, %dma_start3A_146] : memref<2x64x768xf32, #tpu.memory_space<vmem>> -> memref<1x64x768xf32, #tpu.memory_space<vmem>>
        %dma_start3A_148 = tpu.memref_squeeze %dma_start3A_147 : memref<1x64x768xf32, #tpu.memory_space<vmem>> -> memref<64x768xf32, #tpu.memory_space<vmem>>
        %dma_start3A_149 = arith.constant 0 : i32
        %dma_start3A_150 = tpu.memref_slice %arg4[%add3A_143, %dma_start3A_149] : memref<65536x768xf32, #tpu.memory_space<hbm>> -> memref<64x768xf32, #tpu.memory_space<hbm>>
        %dma_start3A_151 = arith.constant 0 : i32
        %dma_start3A_152 = tpu.memref_slice %arg4[%add3A_143, %dma_start3A_151] : memref<65536x768xf32, #tpu.memory_space<hbm>> -> memref<64x768xf32, #tpu.memory_space<hbm>>
        %dma_start3A_153 = arith.constant 0 : i32
        %dma_start3A_154 = arith.constant 0 : i32
        %dma_start3A_155 = tpu.memref_slice %arg6[%dma_start3A_144, %dma_start3A_153, %dma_start3A_154] : memref<2x64x768xf32, #tpu.memory_space<vmem>> -> memref<1x64x768xf32, #tpu.memory_space<vmem>>
        %dma_start3A_156 = tpu.memref_squeeze %dma_start3A_155 : memref<1x64x768xf32, #tpu.memory_space<vmem>> -> memref<64x768xf32, #tpu.memory_space<vmem>>
        tpu.enqueue_dma source(%dma_start3A_156 : memref<64x768xf32, #tpu.memory_space<vmem>>) target(%dma_start3A_152 : memref<64x768xf32, #tpu.memory_space<hbm>>) target_semaphore(%arg10 : memref<!tpu.dma_semaphore, #tpu.memory_space<semaphore_mem>>)
      } else {
      }
      %convert_element_type3A_78 = arith.extui %gt3A_60 : i1 to i32
      %cond3A_79 = arith.constant 0 : i32
      %cond3A_80 = arith.cmpi ne, %convert_element_type3A_78, %cond3A_79 : i32
      scf.if %cond3A_80 {
        %dma_wait3A_126 = arith.constant 1 : i32
        %dma_wait3A_127 = arith.constant 0 : i32
        %dma_wait3A_128 = arith.constant 0 : i32
        %dma_wait3A_129 = tpu.memref_slice %arg6[%dma_wait3A_126, %dma_wait3A_127, %dma_wait3A_128] : memref<2x64x768xf32, #tpu.memory_space<vmem>> -> memref<1x64x768xf32, #tpu.memory_space<vmem>>
        %dma_wait3A_130 = tpu.memref_squeeze %dma_wait3A_129 : memref<1x64x768xf32, #tpu.memory_space<vmem>> -> memref<64x768xf32, #tpu.memory_space<vmem>>
        %dma_wait3A_131 = arith.constant 0 : i32
        %dma_wait3A_132 = tpu.memref_slice %arg4[%mul3A_2, %dma_wait3A_131] : memref<65536x768xf32, #tpu.memory_space<hbm>> -> memref<64x768xf32, #tpu.memory_space<hbm>>
        %dma_wait3A_133 = arith.constant 0 : i32
        %dma_wait3A_134 = tpu.memref_slice %arg4[%mul3A_2, %dma_wait3A_133] : memref<65536x768xf32, #tpu.memory_space<hbm>> -> memref<64x768xf32, #tpu.memory_space<hbm>>
        %dma_wait3A_135 = arith.constant 0 : i32
        %dma_wait3A_136 = arith.constant 0 : i32
        %dma_wait3A_137 = tpu.memref_slice %arg6[%dma_wait3A_126, %dma_wait3A_135, %dma_wait3A_136] : memref<2x64x768xf32, #tpu.memory_space<vmem>> -> memref<1x64x768xf32, #tpu.memory_space<vmem>>
        %dma_wait3A_138 = tpu.memref_squeeze %dma_wait3A_137 : memref<1x64x768xf32, #tpu.memory_space<vmem>> -> memref<64x768xf32, #tpu.memory_space<vmem>>
        tpu.wait_dma2 semaphore(%arg10 : memref<!tpu.dma_semaphore, #tpu.memory_space<semaphore_mem>>) src(%dma_wait3A_138 : memref<64x768xf32, #tpu.memory_space<vmem>>) dst(%dma_wait3A_134 : memref<64x768xf32, #tpu.memory_space<hbm>>)
      } else {
      }
      %mul3A_81 = arith.constant 2 : i32
      %mul3A_82 = arith.muli %mul3A_81, %scan3A_59 : i32
      %add3A_83 = arith.constant 1 : i32
      %add3A_84 = arith.addi %mul3A_82, %add3A_83 : i32
      %dma_start3A_85 = arith.constant 1 : i32
      %dma_start3A_86 = arith.constant 0 : i32
      %dma_start3A_87 = arith.constant 0 : i32
      %dma_start3A_88 = tpu.memref_slice %arg6[%dma_start3A_85, %dma_start3A_86, %dma_start3A_87] : memref<2x64x768xf32, #tpu.memory_space<vmem>> -> memref<1x64x768xf32, #tpu.memory_space<vmem>>
      %dma_start3A_89 = tpu.memref_squeeze %dma_start3A_88 : memref<1x64x768xf32, #tpu.memory_space<vmem>> -> memref<64x768xf32, #tpu.memory_space<vmem>>
      %dma_start3A_90 = arith.constant 0 : i32
      %dma_start3A_91 = tpu.memref_slice %arg5[%add3A_84, %dma_start3A_90] : memref<32x64xi32, #tpu.memory_space<vmem>> -> memref<1x64xi32, #tpu.memory_space<vmem>>
      %dma_start3A_92 = tpu.memref_squeeze %dma_start3A_91 : memref<1x64xi32, #tpu.memory_space<vmem>> -> memref<64xi32, #tpu.memory_space<vmem>>
      %dma_start3A_93 = arith.constant 0 : i32
      %dma_start3A_94 = arith.constant 0 : i32
      %dma_start3A_95 = tpu.memref_slice %arg3[%dma_start3A_93, %dma_start3A_94] : memref<1024x768xf32, #tpu.memory_space<hbm>> -> memref<1024x768xf32, #tpu.memory_space<hbm>>
      tpu.enqueue_indirect_dma source(%dma_start3A_95 : memref<1024x768xf32, #tpu.memory_space<hbm>>) target(%dma_start3A_89 : memref<64x768xf32, #tpu.memory_space<vmem>>) offsets(%dma_start3A_92 : memref<64xi32, #tpu.memory_space<vmem>>) semaphore(%arg8 : memref<!tpu.dma_semaphore, #tpu.memory_space<semaphore_mem>>)
      %dma_wait3A_96 = arith.constant 0 : i32
      %dma_wait3A_97 = arith.constant 0 : i32
      %dma_wait3A_98 = arith.constant 0 : i32
      %dma_wait3A_99 = arith.constant 0 : i32
      %dma_wait3A_100 = tpu.memref_slice %arg6[%dma_wait3A_97, %dma_wait3A_98, %dma_wait3A_99] : memref<2x64x768xf32, #tpu.memory_space<vmem>> -> memref<1x64x768xf32, #tpu.memory_space<vmem>>
      %dma_wait3A_101 = tpu.memref_squeeze %dma_wait3A_100 : memref<1x64x768xf32, #tpu.memory_space<vmem>> -> memref<64x768xf32, #tpu.memory_space<vmem>>
      %dma_wait3A_102 = arith.constant 0 : i32
      %dma_wait3A_103 = tpu.memref_slice %arg5[%dma_wait3A_96, %dma_wait3A_102] : memref<32x64xi32, #tpu.memory_space<vmem>> -> memref<1x64xi32, #tpu.memory_space<vmem>>
      %dma_wait3A_104 = tpu.memref_squeeze %dma_wait3A_103 : memref<1x64xi32, #tpu.memory_space<vmem>> -> memref<64xi32, #tpu.memory_space<vmem>>
      %dma_wait3A_105 = arith.constant 0 : i32
      %dma_wait3A_106 = arith.constant 0 : i32
      %dma_wait3A_107 = tpu.memref_slice %arg3[%dma_wait3A_105, %dma_wait3A_106] : memref<1024x768xf32, #tpu.memory_space<hbm>> -> memref<1024x768xf32, #tpu.memory_space<hbm>>
      tpu.wait_indirect_dma semaphore(%arg7 : memref<!tpu.dma_semaphore, #tpu.memory_space<semaphore_mem>>) src(%dma_wait3A_107 : memref<1024x768xf32, #tpu.memory_space<hbm>>) dst(%dma_wait3A_101 : memref<64x768xf32, #tpu.memory_space<vmem>>)
      %mul3A_108 = arith.constant 2 : i32
      %mul3A_109 = arith.muli %mul3A_108, %scan3A_59 : i32
      %mul3A_110 = arith.constant 64 : i32
      %mul3A_111 = arith.muli %mul3A_109, %mul3A_110 : i32
      %add3A_112 = arith.addi %mul3A_2, %mul3A_111 : i32
      %dma_start3A_113 = arith.constant 0 : i32
      %dma_start3A_114 = arith.constant 0 : i32
      %dma_start3A_115 = arith.constant 0 : i32
      %dma_start3A_116 = tpu.memref_slice %arg6[%dma_start3A_113, %dma_start3A_114, %dma_start3A_115] : memref<2x64x768xf32, #tpu.memory_space<vmem>> -> memref<1x64x768xf32, #tpu.memory_space<vmem>>
      %dma_start3A_117 = tpu.memref_squeeze %dma_start3A_116 : memref<1x64x768xf32, #tpu.memory_space<vmem>> -> memref<64x768xf32, #tpu.memory_space<vmem>>
      %dma_start3A_118 = arith.constant 0 : i32
      %dma_start3A_119 = tpu.memref_slice %arg4[%add3A_112, %dma_start3A_118] : memref<65536x768xf32, #tpu.memory_space<hbm>> -> memref<64x768xf32, #tpu.memory_space<hbm>>
      %dma_start3A_120 = arith.constant 0 : i32
      %dma_start3A_121 = tpu.memref_slice %arg4[%add3A_112, %dma_start3A_120] : memref<65536x768xf32, #tpu.memory_space<hbm>> -> memref<64x768xf32, #tpu.memory_space<hbm>>
      %dma_start3A_122 = arith.constant 0 : i32
      %dma_start3A_123 = arith.constant 0 : i32
      %dma_start3A_124 = tpu.memref_slice %arg6[%dma_start3A_113, %dma_start3A_122, %dma_start3A_123] : memref<2x64x768xf32, #tpu.memory_space<vmem>> -> memref<1x64x768xf32, #tpu.memory_space<vmem>>
      %dma_start3A_125 = tpu.memref_squeeze %dma_start3A_124 : memref<1x64x768xf32, #tpu.memory_space<vmem>> -> memref<64x768xf32, #tpu.memory_space<vmem>>
      tpu.enqueue_dma source(%dma_start3A_125 : memref<64x768xf32, #tpu.memory_space<vmem>>) target(%dma_start3A_121 : memref<64x768xf32, #tpu.memory_space<hbm>>) target_semaphore(%arg9 : memref<!tpu.dma_semaphore, #tpu.memory_space<semaphore_mem>>)
    }
    %scan3A_7 = arith.constant 16 : i32
    %dma_wait3A = arith.constant 0 : i32
    %dma_wait3A_8 = arith.constant 1 : i32
    %dma_wait3A_9 = arith.constant 0 : i32
    %dma_wait3A_10 = arith.constant 0 : i32
    %dma_wait3A_11 = tpu.memref_slice %arg6[%dma_wait3A_8, %dma_wait3A_9, %dma_wait3A_10] : memref<2x64x768xf32, #tpu.memory_space<vmem>> -> memref<1x64x768xf32, #tpu.memory_space<vmem>>
    %dma_wait3A_12 = tpu.memref_squeeze %dma_wait3A_11 : memref<1x64x768xf32, #tpu.memory_space<vmem>> -> memref<64x768xf32, #tpu.memory_space<vmem>>
    %dma_wait3A_13 = arith.constant 0 : i32
    %dma_wait3A_14 = tpu.memref_slice %arg5[%dma_wait3A, %dma_wait3A_13] : memref<32x64xi32, #tpu.memory_space<vmem>> -> memref<1x64xi32, #tpu.memory_space<vmem>>
    %dma_wait3A_15 = tpu.memref_squeeze %dma_wait3A_14 : memref<1x64xi32, #tpu.memory_space<vmem>> -> memref<64xi32, #tpu.memory_space<vmem>>
    %dma_wait3A_16 = arith.constant 0 : i32
    %dma_wait3A_17 = arith.constant 0 : i32
    %dma_wait3A_18 = tpu.memref_slice %arg3[%dma_wait3A_16, %dma_wait3A_17] : memref<1024x768xf32, #tpu.memory_space<hbm>> -> memref<1024x768xf32, #tpu.memory_space<hbm>>
    tpu.wait_indirect_dma semaphore(%arg8 : memref<!tpu.dma_semaphore, #tpu.memory_space<semaphore_mem>>) src(%dma_wait3A_18 : memref<1024x768xf32, #tpu.memory_space<hbm>>) dst(%dma_wait3A_12 : memref<64x768xf32, #tpu.memory_space<vmem>>)
    %add3A_19 = arith.constant 1984 : i32
    %add3A_20 = arith.addi %mul3A_2, %add3A_19 : i32
    %dma_start3A = arith.constant 1 : i32
    %dma_start3A_21 = arith.constant 0 : i32
    %dma_start3A_22 = arith.constant 0 : i32
    %dma_start3A_23 = tpu.memref_slice %arg6[%dma_start3A, %dma_start3A_21, %dma_start3A_22] : memref<2x64x768xf32, #tpu.memory_space<vmem>> -> memref<1x64x768xf32, #tpu.memory_space<vmem>>
    %dma_start3A_24 = tpu.memref_squeeze %dma_start3A_23 : memref<1x64x768xf32, #tpu.memory_space<vmem>> -> memref<64x768xf32, #tpu.memory_space<vmem>>
    %dma_start3A_25 = arith.constant 0 : i32
    %dma_start3A_26 = tpu.memref_slice %arg4[%add3A_20, %dma_start3A_25] : memref<65536x768xf32, #tpu.memory_space<hbm>> -> memref<64x768xf32, #tpu.memory_space<hbm>>
    %dma_start3A_27 = arith.constant 0 : i32
    %dma_start3A_28 = tpu.memref_slice %arg4[%add3A_20, %dma_start3A_27] : memref<65536x768xf32, #tpu.memory_space<hbm>> -> memref<64x768xf32, #tpu.memory_space<hbm>>
    %dma_start3A_29 = arith.constant 0 : i32
    %dma_start3A_30 = arith.constant 0 : i32
    %dma_start3A_31 = tpu.memref_slice %arg6[%dma_start3A, %dma_start3A_29, %dma_start3A_30] : memref<2x64x768xf32, #tpu.memory_space<vmem>> -> memref<1x64x768xf32, #tpu.memory_space<vmem>>
    %dma_start3A_32 = tpu.memref_squeeze %dma_start3A_31 : memref<1x64x768xf32, #tpu.memory_space<vmem>> -> memref<64x768xf32, #tpu.memory_space<vmem>>
    tpu.enqueue_dma source(%dma_start3A_32 : memref<64x768xf32, #tpu.memory_space<vmem>>) target(%dma_start3A_28 : memref<64x768xf32, #tpu.memory_space<hbm>>) target_semaphore(%arg10 : memref<!tpu.dma_semaphore, #tpu.memory_space<semaphore_mem>>)
    %dma_wait3A_33 = arith.constant 0 : i32
    %dma_wait3A_34 = arith.constant 0 : i32
    %dma_wait3A_35 = arith.constant 0 : i32
    %dma_wait3A_36 = tpu.memref_slice %arg6[%dma_wait3A_33, %dma_wait3A_34, %dma_wait3A_35] : memref<2x64x768xf32, #tpu.memory_space<vmem>> -> memref<1x64x768xf32, #tpu.memory_space<vmem>>
    %dma_wait3A_37 = tpu.memref_squeeze %dma_wait3A_36 : memref<1x64x768xf32, #tpu.memory_space<vmem>> -> memref<64x768xf32, #tpu.memory_space<vmem>>
    %dma_wait3A_38 = arith.constant 0 : i32
    %dma_wait3A_39 = tpu.memref_slice %arg4[%mul3A_2, %dma_wait3A_38] : memref<65536x768xf32, #tpu.memory_space<hbm>> -> memref<64x768xf32, #tpu.memory_space<hbm>>
    %dma_wait3A_40 = arith.constant 0 : i32
    %dma_wait3A_41 = tpu.memref_slice %arg4[%mul3A_2, %dma_wait3A_40] : memref<65536x768xf32, #tpu.memory_space<hbm>> -> memref<64x768xf32, #tpu.memory_space<hbm>>
    %dma_wait3A_42 = arith.constant 0 : i32
    %dma_wait3A_43 = arith.constant 0 : i32
    %dma_wait3A_44 = tpu.memref_slice %arg6[%dma_wait3A_33, %dma_wait3A_42, %dma_wait3A_43] : memref<2x64x768xf32, #tpu.memory_space<vmem>> -> memref<1x64x768xf32, #tpu.memory_space<vmem>>
    %dma_wait3A_45 = tpu.memref_squeeze %dma_wait3A_44 : memref<1x64x768xf32, #tpu.memory_space<vmem>> -> memref<64x768xf32, #tpu.memory_space<vmem>>
    tpu.wait_dma2 semaphore(%arg9 : memref<!tpu.dma_semaphore, #tpu.memory_space<semaphore_mem>>) src(%dma_wait3A_45 : memref<64x768xf32, #tpu.memory_space<vmem>>) dst(%dma_wait3A_41 : memref<64x768xf32, #tpu.memory_space<hbm>>)
    %dma_wait3A_46 = arith.constant 1 : i32
    %dma_wait3A_47 = arith.constant 0 : i32
    %dma_wait3A_48 = arith.constant 0 : i32
    %dma_wait3A_49 = tpu.memref_slice %arg6[%dma_wait3A_46, %dma_wait3A_47, %dma_wait3A_48] : memref<2x64x768xf32, #tpu.memory_space<vmem>> -> memref<1x64x768xf32, #tpu.memory_space<vmem>>
    %dma_wait3A_50 = tpu.memref_squeeze %dma_wait3A_49 : memref<1x64x768xf32, #tpu.memory_space<vmem>> -> memref<64x768xf32, #tpu.memory_space<vmem>>
    %dma_wait3A_51 = arith.constant 0 : i32
    %dma_wait3A_52 = tpu.memref_slice %arg4[%mul3A_2, %dma_wait3A_51] : memref<65536x768xf32, #tpu.memory_space<hbm>> -> memref<64x768xf32, #tpu.memory_space<hbm>>
    %dma_wait3A_53 = arith.constant 0 : i32
    %dma_wait3A_54 = tpu.memref_slice %arg4[%mul3A_2, %dma_wait3A_53] : memref<65536x768xf32, #tpu.memory_space<hbm>> -> memref<64x768xf32, #tpu.memory_space<hbm>>
    %dma_wait3A_55 = arith.constant 0 : i32
    %dma_wait3A_56 = arith.constant 0 : i32
    %dma_wait3A_57 = tpu.memref_slice %arg6[%dma_wait3A_46, %dma_wait3A_55, %dma_wait3A_56] : memref<2x64x768xf32, #tpu.memory_space<vmem>> -> memref<1x64x768xf32, #tpu.memory_space<vmem>>
    %dma_wait3A_58 = tpu.memref_squeeze %dma_wait3A_57 : memref<1x64x768xf32, #tpu.memory_space<vmem>> -> memref<64x768xf32, #tpu.memory_space<vmem>>
    tpu.wait_dma2 semaphore(%arg10 : memref<!tpu.dma_semaphore, #tpu.memory_space<semaphore_mem>>) src(%dma_wait3A_58 : memref<64x768xf32, #tpu.memory_space<vmem>>) dst(%dma_wait3A_54 : memref<64x768xf32, #tpu.memory_space<hbm>>)
    return
  }
}

</mosaic_0001>

<sc_bundles>
// kernel: kernel.3.cloned.1.call-start
scs
__scs_entry_jumppad:
0x0: {  	(pc) =	sbr.rel $0x88, $3  }
0x1: {  	(tag) =	ssettag $0x0;
	lr =	simm.s32 $0x1  }
0x2: {  	[smem:$0x3F9F] =	sst lr;
	_ =	strace $0xD0000000  }
0x3: {  	_ = 	snop  }
0x4: {  	_ = 	snop  }
0x5: {  	_ = 	snop  }
0x6: {  	_ = 	snop  }
0x7: {  	_ = 	snop  }
__scs_overlays_trampoline_lowered:
0x8: {  	[smem:$0x3FAE] =	sst s0  }
0x9: {  	[smem:$0x3FAF] =	sst s1  }
0xa: {  	[smem:$0x3FB0] =	sst s2  }
0xb: {  	[smem:$0x3FB1] =	sst s3  }
0xc: {  	[smem:$0x3FB2] =	sst s4  }
0xd: {  	[smem:$0x3FB3] =	sst s5  }
0xe: {  	[smem:$0x3FB4] =	sst s6  }
0xf: {  	[smem:$0x3FB5] =	sst s7  }
0x10: {  	[smem:$0x3FB6] =	sst s8  }
0x11: {  	[smem:$0x3FB7] =	sst s9;
	s0 =	simm.s32 @!p0 $0x0  }
0x12: {  	s1 =	sld [smem:$0x3F9D];
	s0 =	simm.s32 @p0 $0x1  }
0x13: {  	[smem:$0x3FB8] =	sst s0;
	s0 =	simm.s32 @!p1 $0x0  }
0x14: {  	s2 =	sld [smem:$0x3F9C];
	s0 =	simm.s32 @p1 $0x1  }
0x15: {  	[smem:$0x3FB9] =	sst s0;
	s0 =	simm.s32 @!p2 $0x0  }
0x16: {  	s3 =	sld [smem:$0x3FDB];
	s0 =	simm.s32 @p2 $0x1  }
0x17: {  	s4 =	simm.s32 $0x1BF5;
	[smem:$0x3FBB] =	sst s0  }
0x18: {  	s0 =	sld [smem:$0x3F9E];
	_ =	swait.ge [sflag:s4], $0x0  }
0x19: {  	s7 =	sld [smem:$0x3F9F]  }
0x1a: {  	s8 =	sadd.s32 $0xFFFFE003, lr  }
0x1b: {  	s9 =	sadd.s32 $0xFFFFFEF7, lr;
	s5 =	simm.s32 $0xFFFFFFFF;
	p2 =	slt.u32 s8, $0xFFFFF086  }
0x1c: {  	p1 =	slt.u32 s9, $0xF7A;
	s5 =	simm.s32 @!p2 $0x0  }
0x1d: {  	s5 =	simm.s32 @p1 $0x1;
	p0 =	seq.s32 s7, s2  }
0x1e: {  	s7 =	smul.u32 @!p0 $0xF7A, s2;
	p2 =	seq.s32 @!p0 s5, $0x0  }
0x1f: {  	s9 =	smul.u32 $0xF7A, s1;
	s8 =	simm.s32 @!p0 $0x1BF5;
	p2 =	por !p2, p0  }
0x20: {  	[sflag:s8] =	ssyncset.s32 @!p0 $0xFFFFF086;
	s6 =	sadd.s32 @!p0 s3, s7;
	s7 =	simm.s32 @!p0 $0x108  }
0x21: {  	s3 =	sadd.s32 s3, s9;
	s6 =	sadd.s32 @!p0 $0x88, s6;
	s7 =	simm.s32 @p2 $0x1082  }
0x22: {  	[simem:s7], [sflag:s8] =	dma.local @!p0 [hbm:s6], $0xF7A  }
0x23: {  	s9 =	sor.u32 $0xD0000000, s2;
	s6 =	simm.s32 $0x108;
	_ =	swait.ge @!p0 [sflag:s8], $0x0  }
0x24: {  	s3 =	sadd.s32 $0x88, s3;
	s6 =	simm.s32 @!p1 $0x1082;
	[sflag:s4] =	ssyncset.s32 $0xFFFFF086  }
0x25: {  	[simem:s6], [sflag:s4] =	dma.local [hbm:s3], $0xF7A  }
0x26: {  	[smem:$0x3F9F] =	sst s1;
	(tag) =	ssettag s2;
	_ =	strace s9  }
0x27: {  	s1 =	sld [smem:$0x3FAF]  }
0x28: {  	s2 =	sld [smem:$0x3FB0]  }
0x29: {  	s4 =	sld [smem:$0x3FB2]  }
0x2a: {  	p0 =	seq.s32 s5, $0x0;
	s5 =	sld [smem:$0x3FB3]  }
0x2b: {  	s6 =	sld [smem:$0x3FB4]  }
0x2c: {  	s7 =	sld [smem:$0x3FB5]  }
0x2d: {  	s3 =	simm.s32 $0x108;
	s8 =	sld [smem:$0x3FB6]  }
0x2e: {  	s3 =	simm.s32 @!p0 $0x1082;
	s9 =	sld [smem:$0x3FB7]  }
0x2f: {  	lr =	sadd.s32 s0, s3;
	s0 =	sld [smem:$0x3FAE]  }
0x30: {  	s3 =	sld [smem:$0x3FB1]  }
0x31: {  	[smem:$0x3FBA] =	sst s10  }
0x32: {  	s10 =	sld [smem:$0x3FB8];
	_ =	sdelay $0x3  }
0x33: {  	p0 =	seq.s32 s10, $0x1;
	s10 =	sld [smem:$0x3FBA];
	_ =	sdelay $0x3  }
0x34: {  	[smem:$0x3FBA] =	sst s10  }
0x35: {  	s10 =	sld [smem:$0x3FB9];
	_ =	sdelay $0x3  }
0x36: {  	p1 =	seq.s32 s10, $0x1;
	s10 =	sld [smem:$0x3FBA];
	_ =	sdelay $0x3  }
0x37: {  	[smem:$0x3FBA] =	sst s10  }
0x38: {  	s10 =	sld [smem:$0x3FBB]  }
0x39: {  	_ = 	snop;
	(pc) =	sbr.ind lr, $3  }
0x3a: {  	_ = 	snop  }
0x3b: {  	_ = 	snop  }
0x3c: {  	p2 =	seq.s32 s10, $0x1;
	s10 =	sld [smem:$0x3FBA]  }
0x3d: {  	_ =	shalt  }
0x3e: {  	_ =	shalt  }
0x3f: {  	_ =	shalt  }
0x40: {  	_ =	shalt  }
0x41: {  	_ =	shalt  }
0x42: {  	_ =	shalt  }
0x43: {  	_ =	shalt  }
0x44: {  	_ =	shalt  }
0x45: {  	_ =	shalt  }
0x46: {  	_ =	shalt  }
0x47: {  	_ =	shalt  }
0x48: {  	_ =	shalt  }
0x49: {  	_ =	shalt  }
0x4a: {  	_ =	shalt  }
0x4b: {  	_ =	shalt  }
0x4c: {  	_ =	shalt  }
0x4d: {  	_ =	shalt  }
0x4e: {  	_ =	shalt  }
0x4f: {  	_ =	shalt  }
0x50: {  	_ =	shalt  }
0x51: {  	_ =	shalt  }
0x52: {  	_ =	shalt  }
0x53: {  	_ =	shalt  }
0x54: {  	_ =	shalt  }
0x55: {  	_ =	shalt  }
0x56: {  	_ =	shalt  }
0x57: {  	_ =	shalt  }
0x58: {  	_ =	shalt  }
0x59: {  	_ =	shalt  }
0x5a: {  	_ =	shalt  }
0x5b: {  	_ =	shalt  }
0x5c: {  	_ =	shalt  }
0x5d: {  	_ =	shalt  }
0x5e: {  	_ =	shalt  }
0x5f: {  	_ =	shalt  }
0x60: {  	_ =	shalt  }
0x61: {  	_ =	shalt  }
0x62: {  	_ =	shalt  }
0x63: {  	_ =	shalt  }
0x64: {  	_ =	shalt  }
0x65: {  	_ =	shalt  }
0x66: {  	_ =	shalt  }
0x67: {  	_ =	shalt  }
0x68: {  	_ =	shalt  }
0x69: {  	_ =	shalt  }
0x6a: {  	_ =	shalt  }
0x6b: {  	_ =	shalt  }
0x6c: {  	_ =	shalt  }
0x6d: {  	_ =	shalt  }
0x6e: {  	_ =	shalt  }
0x6f: {  	_ =	shalt  }
0x70: {  	_ =	shalt  }
0x71: {  	_ =	shalt  }
0x72: {  	_ =	shalt  }
0x73: {  	_ =	shalt  }
0x74: {  	_ =	shalt  }
0x75: {  	_ =	shalt  }
0x76: {  	_ =	shalt  }
0x77: {  	_ =	shalt  }
0x78: {  	_ =	shalt  }
0x79: {  	_ =	shalt  }
0x7a: {  	_ =	shalt  }
0x7b: {  	_ =	shalt  }
0x7c: {  	_ =	shalt  }
0x7d: {  	_ =	shalt  }
0x7e: {  	_ =	shalt  }
0x7f: {  	_ =	shalt  }
0x80: {  	_ =	shalt  }
0x81: {  	_ =	shalt  }
0x82: {  	_ =	shalt  }
0x83: {  	_ =	shalt  }
0x84: {  	_ =	shalt  }
0x85: {  	_ =	shalt  }
0x86: {  	_ =	shalt  }
0x87: {  	_ =	shalt  }
.Lfunc_end0:
.L_simem_size_0:
called_computation_lowered:
.L_overlay_start_0:
0x88: {  	s2 =	sld [smem:$0x3FD9]  }
0x89: {  	s3 =	sld [smem:$0x3FFE];
	_ =	sdelay $0x1  }
0x8a: {  	s1 =	srdreg.scid  }
0x8b: {  	s0 =	sand.u32 $0x1, s1  }
0x8c: {  	s17 =	sshll.u32 s0, $0xA;
	s2 =	sadd.s32 s3, s2  }
0x8d: {  	s2 =	sadd.s32 s2, s17  }
0x8e: {  	[smem:$0x3FC6] =	sst s2  }
0x8f: {  	_ = 	snop  }
0x90: {  	s2 =	sld [smem:$0x3FC8]  }
0x91: {  	s18 =	sld [smem:$0x3FD0];
	(tm) =	ssettm $0x1  }
0x92: {  	s4 =	sld [smem:$0x3FFB];
	_ =	sdelay $0x3  }
0x93: {  	_ =	strace s4  }
0x94: {  	s4 =	sld [smem:$0x3FFC];
	_ =	sdelay $0x3  }
0x95: {  	_ =	strace s4  }
0x96: {  	s4 =	sld [smem:$0x3FFD];
	_ =	sdelay $0x3  }
0x97: {  	_ =	strace s4  }
0x98: {  	_ =	strace $0x8FFFFFFF  }
0x99: {  	s19 =	sld [smem:$0x3FDB];
	_ =	sdelay $0x1  }
0x9a: {  	s5 =	simm.s32 $_scs_section_size  }
0x9b: {  	s6 =	simm.s32 $_size__tile_overlayer_lowered;
	s7 =	simm.s32 $_tile_overlayer_lowered  }
0x9c: {  	s22 =	simm.s32 $0x1BFF;
	s21 =	sshll.u32 s7, $0x1;
	s4 =	sadd.s32 s5, s19  }
0x9d: {  	s8 =	simm.s32 $0x0;
	s20 =	sshll.u32 s6, $0x1;
	s6 =	sadd.s32 s21, s4  }
0x9e: {  	[timem:s8], [sflag:s22] =	dma.local [hbm:s6], s20  }
0x9f: {  	_ =	swait.ge [sflag:s22], s20  }
0xa0: {  	s5 =	ssub.s32 $0x0, s20;
	[sflag:s22] =	ssyncset.done $0x0  }
0xa1: {  	[sflag:s22] =	ssyncadd.s32 s5;
	_ =	sdelay $0x1  }
0xa2: {  	s23 =	simm.s32 $0x1B8B  }
0xa3: {  	_ =	swait.ge [sflag:s23], $0x1  }
0xa4: {  	[sflag:s23] =	ssyncset.done $0x0  }
0xa5: {  	s25 =	simm.s32 $0x1B8E;
	s24 =	sld [smem:$0x3FFE];
	[sflag:s23] =	ssyncadd.s32 $0xFFFFFFFF  }
0xa6: {  	s26 =	simm.s32 $execute0_lowered;
	[smem:$0x3FD2] =	sst s25  }
0xa7: {  	s6 =	sshll.u32 s26, $0x1;
	_ =	strace $0x80000046;
	[dreg:$0x1] =	wrdreg $0xFFFFFFFF  }
0xa8: {  	s28 =	simm.s32 $_size_execute0_lowered;
	s4 =	sadd.s32 s4, s6;
	[dreg:$0x0] =	wrdreg $0x0  }
0xa9: {  	s6 =	sshll.u32 s28, $0x1;
	[dreg:$0x2] =	wrdreg s4  }
0xaa: {  	[dreg:$0x3] =	wrdreg s6  }
0xab: {  	[dreg:$0x4] =	wrdreg $0xC0  }
0xac: {  	_ =	task [dreg:s8], $0x5FFFF  }
0xad: {  	[dreg:$0x1] =	wrdreg $0xFFFFFFFF  }
0xae: {  	[dreg:$0x0] =	wrdreg $0x60  }
0xaf: {  	[dreg:$0x2] =	wrdreg s24  }
0xb0: {  	[dreg:$0x3] =	wrdreg s2  }
0xb1: {  	[dreg:$0x4] =	wrdreg s18  }
0xb2: {  	[dreg:$0x5] =	wrdreg $0x9  }
0xb3: {  	_ =	task.clear_ibuf [dreg:s8], $0x6FFFF;
	_ =	strace $0x90000046  }
0xb4: {  	s29 =	simm.s32 $0x9;
	_ =	strace $0x80000048  }
0xb5: {  	_ =	swait.ge [sflag:s29], $0x1  }
0xb6: {  	[sflag:s29] =	ssyncadd.s32 $0xFFFFFFFF  }
0xb7: {  	_ =	strace $0x90000048  }
0xb8: {  	_ =	sfence  }
0xb9: {  	s30 =	sld [smem:$0x0];
	_ =	sdelay $0x2  }
0xba: {  	s31 =	sshll.u32 s1, $0xD;
	s1 =	sshrl.u32 s1, $0x2  }
0xbb: {  	s3 =	sand.u32 $0x4000, s31;
	s1 =	sadd.s32 s1, s30  }
0xbc: {  	s0 =	sor.u32 s3, s0;
	s1 =	sshll.u32 s1, $0x11  }
0xbd: {  	s0 =	sor.u32 s1, s0  }
0xbe: {  	s0 =	sadd.s32 $0x8F2B, s0  }
0xbf: {  	[sflag:s0] =	ssyncadd.remote.s32 $0x1  }
0xc0: {  	_ =	sfence.sel $0xFFFF  }
0xc1: {  	[dreg:$0x0] =	wrdreg $0xFFFFFFFF;
	(pc) =	sbr.abs _section_cstart, $3  }
0xc2: {  	[dreg:$0x1] =	wrdreg $0xFFFFFFFF  }
0xc3: {  	_ =	task.clear_ibuf [dreg:s8], $0x2FFFF;
	_ =	strace $0x9FFFFFFF  }
0xc4: {  	(tm) =	ssettm $0x7FFFFFFF  }
0xc5: {  	_ =	shalt  }
tec
execute0_lowered:
.L_overlay_start_1:
0x0: {  	(tag) =	ssettag $0x1  }
0x1: {  	s5 =	rddreg [dreg:$0x0]  }
0x2: {  	s1 =	rddreg [dreg:$0x1]  }
0x3: {  	s3 =	rddreg [dreg:$0x2]  }
0x4: {  	s0 =	rddreg [dreg:$0x3];
	s4 =	simm.s32 $0x0  }
0x5: {  	s15 =	simm.s32 $0x1800;
	[smem:$0x7FF] =	sst s4  }
0x6: {  	s16 =	simm.s32 $0x2000;
	_ =	strace $0x80000047;
	[dreg:$0x6] =	wrdreg s15  }
0x7: {  	s17 =	simm.s32 $0x2800;
	[dreg:$0x7] =	wrdreg s16  }
0x8: {  	s18 =	simm.s32 $0x3000;
	[dreg:$0x8] =	wrdreg s17  }
0x9: {  	s19 =	simm.s32 $0x3800;
	[dreg:$0x9] =	wrdreg s18  }
0xa: {  	s20 =	simm.s32 $0x4000;
	[dreg:$0xa] =	wrdreg s19  }
0xb: {  	s21 =	simm.s32 $0x4800;
	[dreg:$0xb] =	wrdreg s20  }
0xc: {  	s22 =	simm.s32 $0x5000;
	[dreg:$0xc] =	wrdreg s21  }
0xd: {  	s23 =	simm.s32 $0x5800;
	[dreg:$0xd] =	wrdreg s22  }
0xe: {  	s24 =	simm.s32 $0x6000;
	[dreg:$0xe] =	wrdreg s23  }
0xf: {  	s25 =	simm.s32 $0x6800;
	[dreg:$0xf] =	wrdreg s24  }
0x10: {  	s26 =	simm.s32 $0x7000;
	[dreg:$0x10] =	wrdreg s25  }
0x11: {  	s28 =	simm.s32 $0x7800;
	[dreg:$0x11] =	wrdreg s26  }
0x12: {  	s29 =	simm.s32 $0x8000;
	[dreg:$0x12] =	wrdreg s28  }
0x13: {  	s30 =	simm.s32 $0x8800;
	[dreg:$0x13] =	wrdreg s29  }
0x14: {  	s31 =	simm.s32 $0x9000;
	[dreg:$0x14] =	wrdreg s30  }
0x15: {  	s11 =	simm.s32 $0xA800;
	[dreg:$0x15] =	wrdreg s31  }
0x16: {  	s12 =	simm.s32 $0xB000;
	[dreg:$0x18] =	wrdreg s11  }
0x17: {  	s13 =	simm.s32 $0xB800;
	[dreg:$0x19] =	wrdreg s12  }
0x18: {  	s14 =	simm.s32 $0xC000;
	[dreg:$0x1a] =	wrdreg s13  }
0x19: {  	s6 =	srdreg.scid;
	[dreg:$0x1b] =	wrdreg s14;
	s15 =	simm.s32 $0xC800  }
0x1a: {  	s2 =	stileid.u32;
	s17 =	simm.s32 $0xD800;
	[dreg:$0x1c] =	wrdreg s15  }
0x1b: {  	s6 =	sand.u32 $0x1, s6;
	s18 =	simm.s32 $0xE000;
	[dreg:$0x1d] =	wrdreg s17  }
0x1c: {  	s7 =	sshll.u32 s2, $0x1;
	s19 =	simm.s32 $0xE800;
	[dreg:$0x1e] =	wrdreg s18  }
0x1d: {  	s8 =	sshll.u32 s2, $0xC;
	s21 =	simm.s32 $0xF000;
	[dreg:$0x1f] =	wrdreg s19  }
0x1e: {  	s7 =	sor.u32 s6, s7;
	s22 =	simm.s32 $0xF800;
	[smem:$0x7F2] =	sst s21  }
0x1f: {  	s9 =	sshll.u32 s6, $0xB;
	s23 =	simm.s32 $0x10000;
	[smem:$0x7F3] =	sst s22  }
0x20: {  	s6 =	ssub.s32 $0x2, s6;
	s24 =	simm.s32 $0x10800;
	[smem:$0x7F4] =	sst s23  }
0x21: {  	s26 =	simm.s32 $0x11000;
	s28 =	simm.s32 $0x11800;
	[smem:$0x7F5] =	sst s24  }
0x22: {  	s29 =	simm.s32 $0x12000;
	s11 =	simm.s32 $0x12800;
	[smem:$0x7F6] =	sst s26  }
0x23: {  	s30 =	simm.s32 $0x13000;
	s31 =	simm.s32 $0x13800;
	[smem:$0x7F7] =	sst s28  }
0x24: {  	s12 =	simm.s32 $0x14000;
	s13 =	simm.s32 $0x14800;
	[smem:$0x7F8] =	sst s29  }
0x25: {  	s14 =	simm.s32 $0x15800;
	s10 =	sshll.u32 s7, $0xB;
	[smem:$0x7F9] =	sst s11  }
0x26: {  	s8 =	sor.u32 s9, s8;
	s9 =	simm.s32 $0x9800;
	[smem:$0x7FA] =	sst s30  }
0x27: {  	s16 =	sshll.u32 s7, $0x9;
	s20 =	sshrl.u32 s6, $0x1;
	[smem:$0x7FB] =	sst s31  }
0x28: {  	s25 =	smul.u32 $0x180000, s7;
	s7 =	sadd.s32 $0x200, s1;
	[smem:$0x7FC] =	sst s12  }
0x29: {  	s11 =	simm.s32 $0x1000;
	s12 =	simm.s32 $0xD000;
	[smem:$0x7FD] =	sst s13  }
0x2a: {  	s13 =	simm.s32 $0x15000;
	s15 =	simm.s32 $0x16000;
	s17 =	simm.s32 $0x17000  }
0x2b: {  	s18 =	simm.s32 $0x17800;
	s19 =	simm.s32 $0x18000;
	s21 =	simm.s32 $0x1  }
0x2c: {  	s22 =	simm.s32 $0x2;
	s23 =	simm.s32 $0x3;
	[dreg:$0x4] =	wrdreg s10  }
0x2d: {  	s24 =	simm.s32 $0x4;
	s8 =	sadd.s32 $0xFFFFFFC0, s8;
	[dreg:$0x16] =	wrdreg s9  }
0x2e: {  	s10 =	simm.s32 $0xA000;
	s5 =	sadd.s32 s16, s5;
	s9 =	ssub.s32 s6, s20  }
0x2f: {  	s6 =	sadd.s32 $0x100, s1;
	s16 =	simm.s32 $0x16800;
	[dreg:$0x5] =	wrdreg s8  }
0x30: {  	v2 =	vlaneseq.u32;
	s20 =	simm.s32 $0x18800;
	[dreg:$0x17] =	wrdreg s10;
	s10 =	sshrl.u32 s25, $0x3  }
0x31: {  	vm0 =	vmmov $0xffff;
	v1 =	vshrl.u32 v2, $0x3;
	s5 =	sadd.s32 $0x400, s5;
	s9 =	smax.u32 s9, $0x1;
	s10 =	sadd.s32 s3, s10  }
0x32: {  	v0 =	vand.u32 $0x7, v2;
	v2 =	vor.u32 $0x8, v2;
	v1 =	vmul.u32 $0x8, v1;
	s25 =	simm.s32 $0x0;
	s8 =	sadd.s32 $0x2E800, s10;
	s10 =	simm.s32 $0x5  }
.LBB2_1:
0x33: {  	[tilespmem:s4], [sflag:$0x5] =	stream.linear.gather [hbm4b:s5+s4], $0x1000, $0x38;
	[tilespmem:$0x19000] =	vst v63  }
0x34: {  	_ =	swait.ge [sflag:s10], $0x1000  }
0x35: {  	[sflag:s10] =	ssyncset.done $0x0  }
0x36: {  	s26 =	simm.s32 $0x80;
	s28 =	simm.s32 $0x0;
	[sflag:s10] =	ssyncadd.s32 $0xFFFFF000  }
.LBB2_2:
0x37: {  	p0 =	seq.s32 s28, $0x0  }
0x38: {  	s29 =	simm.s32 @!p0 $0x3  }
0x39: {  	_ =	swait.ge @!p0 [sflag:s29], $0xC000  }
0x3a: {  	[sflag:s29] =	ssyncset.done @!p0 $0x0  }
0x3b: {  	[sflag:s29] =	ssyncadd.s32 @!p0 $0xFFFF4000  }
0x3c: {  	v3 =	vld [tilespmem:s26+$0xFFFFFF80];
	_ =	sdelay $0x4  }
0x3d: {  	v4 =	vshrl.u32 v3, $0x3  }
0x3e: {  	v4 =	vmul.u32 $0x30, v4  }
0x3f: {  	v3 =	vand.u32 $0x7, v3  }
0x40: {  	v3 =	vor.u32 v3, v4  }
0x41: {  	v4 =	vperm.xlane v3, v0;
	_ =	sdelay $0x1  }
0x42: {  	v4 =	vadd.s32 v1, v4;
	_ =	sdelay $0x3  }
0x43: {  	v3 =	vperm.xlane v3, v2  }
0x44: {  	[tilespmem:s11], [sflag:$0x1] =	stream.indirect_vreg.gather [hbm4b:s1+s4], $0x80, v4, vm0, $0xb8;
	[tilespmem:$0x19000] =	vst v63  }
0x45: {  	s31 =	rddreg [dreg:$0x6];
	v3 =	vadd.s32 v1, v3  }
0x46: {  	[tilespmem:s31], [sflag:$0x1] =	stream.indirect_vreg.gather [hbm4b:s6+s4], $0x80, v4, vm0, $0xb8;
	[tilespmem:$0x19000] =	vst v63  }
0x47: {  	s30 =	rddreg [dreg:$0x7]  }
0x48: {  	[tilespmem:s30], [sflag:$0x1] =	stream.indirect_vreg.gather [hbm4b:s7+s4], $0x80, v4, vm0, $0xb8;
	[tilespmem:$0x19000] =	vst v63  }
0x49: {  	s31 =	rddreg [dreg:$0x8]  }
0x4a: {  	[tilespmem:s31], [sflag:$0x1] =	stream.indirect_vreg.gather [hbm4b:s1+s4], $0x80, v3, vm0, $0xb8;
	[tilespmem:$0x19000] =	vst v63  }
0x4b: {  	s30 =	rddreg [dreg:$0x9]  }
0x4c: {  	[tilespmem:s30], [sflag:$0x1] =	stream.indirect_vreg.gather [hbm4b:s6+s4], $0x80, v3, vm0, $0xb8;
	[tilespmem:$0x19000] =	vst v63  }
0x4d: {  	s31 =	rddreg [dreg:$0xa]  }
0x4e: {  	[tilespmem:s31], [sflag:$0x1] =	stream.indirect_vreg.gather [hbm4b:s7+s4], $0x80, v3, vm0, $0xb8;
	[tilespmem:$0x19000] =	vst v63  }
0x4f: {  	v3 =	vld [tilespmem:s26+$0xFFFFFF90];
	_ =	sdelay $0x4  }
0x50: {  	v57 =	vshrl.u32 v3, $0x3  }
0x51: {  	v4 =	vmul.u32 $0x30, v57  }
0x52: {  	v3 =	vand.u32 $0x7, v3  }
0x53: {  	v3 =	vor.u32 v3, v4  }
0x54: {  	v4 =	vperm.xlane v3, v0;
	_ =	sdelay $0x1  }
0x55: {  	v4 =	vadd.s32 v1, v4;
	_ =	sdelay $0x3  }
0x56: {  	s29 =	rddreg [dreg:$0xb];
	v3 =	vperm.xlane v3, v2  }
0x57: {  	[tilespmem:s29], [sflag:$0x1] =	stream.indirect_vreg.gather [hbm4b:s1+s4], $0x80, v4, vm0, $0xb8;
	[tilespmem:$0x19000] =	vst v63  }
0x58: {  	s31 =	rddreg [dreg:$0xc];
	v3 =	vadd.s32 v1, v3  }
0x59: {  	[tilespmem:s31], [sflag:$0x1] =	stream.indirect_vreg.gather [hbm4b:s6+s4], $0x80, v4, vm0, $0xb8;
	[tilespmem:$0x19000] =	vst v63  }
0x5a: {  	s29 =	rddreg [dreg:$0xd]  }
0x5b: {  	[tilespmem:s29], [sflag:$0x1] =	stream.indirect_vreg.gather [hbm4b:s7+s4], $0x80, v4, vm0, $0xb8;
	[tilespmem:$0x19000] =	vst v63  }
0x5c: {  	s31 =	rddreg [dreg:$0xe]  }
0x5d: {  	[tilespmem:s31], [sflag:$0x1] =	stream.indirect_vreg.gather [hbm4b:s1+s4], $0x80, v3, vm0, $0xb8;
	[tilespmem:$0x19000] =	vst v63  }
0x5e: {  	s29 =	rddreg [dreg:$0xf]  }
0x5f: {  	[tilespmem:s29], [sflag:$0x1] =	stream.indirect_vreg.gather [hbm4b:s6+s4], $0x80, v3, vm0, $0xb8;
	[tilespmem:$0x19000] =	vst v63  }
0x60: {  	s31 =	rddreg [dreg:$0x10]  }
0x61: {  	[tilespmem:s31], [sflag:$0x1] =	stream.indirect_vreg.gather [hbm4b:s7+s4], $0x80, v3, vm0, $0xb8;
	[tilespmem:$0x19000] =	vst v63  }
0x62: {  	v3 =	vld [tilespmem:s26+$0xFFFFFFA0];
	_ =	sdelay $0x4  }
0x63: {  	v58 =	vshrl.u32 v3, $0x3  }
0x64: {  	v4 =	vmul.u32 $0x30, v58  }
0x65: {  	v3 =	vand.u32 $0x7, v3  }
0x66: {  	v3 =	vor.u32 v3, v4  }
0x67: {  	v4 =	vperm.xlane v3, v0;
	_ =	sdelay $0x1  }
0x68: {  	v4 =	vadd.s32 v1, v4;
	_ =	sdelay $0x3  }
0x69: {  	s29 =	rddreg [dreg:$0x11];
	v3 =	vperm.xlane v3, v2  }
0x6a: {  	[tilespmem:s29], [sflag:$0x1] =	stream.indirect_vreg.gather [hbm4b:s1+s4], $0x80, v4, vm0, $0xb8;
	[tilespmem:$0x19000] =	vst v63  }
0x6b: {  	s31 =	rddreg [dreg:$0x12];
	v3 =	vadd.s32 v1, v3  }
0x6c: {  	[tilespmem:s31], [sflag:$0x1] =	stream.indirect_vreg.gather [hbm4b:s6+s4], $0x80, v4, vm0, $0xb8;
	[tilespmem:$0x19000] =	vst v63  }
0x6d: {  	s29 =	rddreg [dreg:$0x13]  }
0x6e: {  	[tilespmem:s29], [sflag:$0x1] =	stream.indirect_vreg.gather [hbm4b:s7+s4], $0x80, v4, vm0, $0xb8;
	[tilespmem:$0x19000] =	vst v63  }
0x6f: {  	s31 =	rddreg [dreg:$0x14]  }
0x70: {  	[tilespmem:s31], [sflag:$0x1] =	stream.indirect_vreg.gather [hbm4b:s1+s4], $0x80, v3, vm0, $0xb8;
	[tilespmem:$0x19000] =	vst v63  }
0x71: {  	s29 =	rddreg [dreg:$0x15]  }
0x72: {  	[tilespmem:s29], [sflag:$0x1] =	stream.indirect_vreg.gather [hbm4b:s6+s4], $0x80, v3, vm0, $0xb8;
	[tilespmem:$0x19000] =	vst v63  }
0x73: {  	s31 =	rddreg [dreg:$0x16]  }
0x74: {  	[tilespmem:s31], [sflag:$0x1] =	stream.indirect_vreg.gather [hbm4b:s7+s4], $0x80, v3, vm0, $0xb8;
	[tilespmem:$0x19000] =	vst v63  }
0x75: {  	v3 =	vld [tilespmem:s26+$0xFFFFFFB0];
	_ =	sdelay $0x4  }
0x76: {  	v59 =	vshrl.u32 v3, $0x3  }
0x77: {  	v4 =	vmul.u32 $0x30, v59  }
0x78: {  	v3 =	vand.u32 $0x7, v3  }
0x79: {  	v3 =	vor.u32 v3, v4  }
0x7a: {  	v4 =	vperm.xlane v3, v0;
	_ =	sdelay $0x1  }
0x7b: {  	v4 =	vadd.s32 v1, v4;
	_ =	sdelay $0x3  }
0x7c: {  	s29 =	rddreg [dreg:$0x17];
	v3 =	vperm.xlane v3, v2  }
0x7d: {  	[tilespmem:s29], [sflag:$0x1] =	stream.indirect_vreg.gather [hbm4b:s1+s4], $0x80, v4, vm0, $0xb8;
	[tilespmem:$0x19000] =	vst v63  }
0x7e: {  	s31 =	rddreg [dreg:$0x18];
	v3 =	vadd.s32 v1, v3  }
0x7f: {  	[tilespmem:s31], [sflag:$0x1] =	stream.indirect_vreg.gather [hbm4b:s6+s4], $0x80, v4, vm0, $0xb8;
	[tilespmem:$0x19000] =	vst v63  }
0x80: {  	s29 =	rddreg [dreg:$0x19]  }
0x81: {  	[tilespmem:s29], [sflag:$0x1] =	stream.indirect_vreg.gather [hbm4b:s7+s4], $0x80, v4, vm0, $0xb8;
	[tilespmem:$0x19000] =	vst v63  }
0x82: {  	s31 =	rddreg [dreg:$0x1a]  }
0x83: {  	[tilespmem:s31], [sflag:$0x1] =	stream.indirect_vreg.gather [hbm4b:s1+s4], $0x80, v3, vm0, $0xb8;
	[tilespmem:$0x19000] =	vst v63  }
0x84: {  	s29 =	rddreg [dreg:$0x1b]  }
0x85: {  	[tilespmem:s29], [sflag:$0x1] =	stream.indirect_vreg.gather [hbm4b:s6+s4], $0x80, v3, vm0, $0xb8;
	[tilespmem:$0x19000] =	vst v63  }
0x86: {  	s31 =	rddreg [dreg:$0x1c];
	s29 =	simm.s32 @!p0 $0x2  }
0x87: {  	[tilespmem:s31], [sflag:$0x1] =	stream.indirect_vreg.gather [hbm4b:s7+s4], $0x80, v3, vm0, $0xb8;
	[tilespmem:$0x19000] =	vst v63  }
0x88: {  	_ =	swait.ge @!p0 [sflag:s29], $0xC000  }
0x89: {  	s30 =	rddreg [dreg:$0x5]  }
0x8a: {  	s30 =	sadd.s32 @!p0 s28, s30  }
0x8b: {  	s30 =	sshrl.u32 @!p0 s30, $0x3  }
0x8c: {  	s30 =	smul.u32 @!p0 $0x300, s30  }
0x8d: {  	s31 =	simm.s32 @!p0 $0xD000;
	[sflag:s29] =	ssyncset.done @!p0 $0x0  }
0x8e: {  	[sflag:s29] =	ssyncadd.s32 @!p0 $0xFFFF4000;
	s29 =	sadd.s32 @!p0 s3, s30;
	s30 =	simm.s32 @!p0 $0x0  }
0x8f: {  	[hbm4b:s29+s30] =	stream.linear.scatter @!p0 [tilespmem:s31], [sflag:$0x4], $0xC000, $0x38;
	[tilespmem:$0x19000] =	vst v63  }
0x90: {  	s29 =	simm.s32 @!p0 $0x4  }
0x91: {  	_ =	swait.ge @!p0 [sflag:s29], $0xC000  }
0x92: {  	[sflag:s29] =	ssyncset.done @!p0 $0x0  }
0x93: {  	[sflag:s29] =	ssyncadd.s32 @!p0 $0xFFFF4000  }
0x94: {  	v3 =	vld [tilespmem:s26+$0x0];
	_ =	sdelay $0x4  }
0x95: {  	v60 =	vshrl.u32 v3, $0x3  }
0x96: {  	v4 =	vmul.u32 $0x30, v60  }
0x97: {  	v3 =	vand.u32 $0x7, v3  }
0x98: {  	v3 =	vor.u32 v3, v4  }
0x99: {  	v4 =	vperm.xlane v3, v0;
	_ =	sdelay $0x1  }
0x9a: {  	v4 =	vadd.s32 v1, v4;
	_ =	sdelay $0x3  }
0x9b: {  	s31 =	rddreg [dreg:$0x1d];
	v3 =	vperm.xlane v3, v2  }
0x9c: {  	[tilespmem:s12], [sflag:$0x2] =	stream.indirect_vreg.gather [hbm4b:s1+s4], $0x80, v4, vm0, $0xb8;
	[tilespmem:$0x19000] =	vst v63  }
0x9d: {  	s30 =	rddreg [dreg:$0x1e];
	v3 =	vadd.s32 v1, v3  }
0x9e: {  	[tilespmem:s31], [sflag:$0x2] =	stream.indirect_vreg.gather [hbm4b:s6+s4], $0x80, v4, vm0, $0xb8;
	[tilespmem:$0x19000] =	vst v63  }
0x9f: {  	s31 =	rddreg [dreg:$0x1f]  }
0xa0: {  	[tilespmem:s30], [sflag:$0x2] =	stream.indirect_vreg.gather [hbm4b:s7+s4], $0x80, v4, vm0, $0xb8;
	[tilespmem:$0x19000] =	vst v63  }
0xa1: {  	s30 =	sld [smem:$0x7F2]  }
0xa2: {  	[tilespmem:s31], [sflag:$0x2] =	stream.indirect_vreg.gather [hbm4b:s1+s4], $0x80, v3, vm0, $0xb8;
	[tilespmem:$0x19000] =	vst v63  }
0xa3: {  	s31 =	sld [smem:$0x7F3]  }
0xa4: {  	[tilespmem:s30], [sflag:$0x2] =	stream.indirect_vreg.gather [hbm4b:s6+s4], $0x80, v3, vm0, $0xb8;
	[tilespmem:$0x19000] =	vst v63  }
0xa5: {  	_ = 	snop  }
0xa6: {  	[tilespmem:s31], [sflag:$0x2] =	stream.indirect_vreg.gather [hbm4b:s7+s4], $0x80, v3, vm0, $0xb8;
	[tilespmem:$0x19000] =	vst v63  }
0xa7: {  	v3 =	vld [tilespmem:s26+$0x10];
	_ =	sdelay $0x4  }
0xa8: {  	v61 =	vshrl.u32 v3, $0x3  }
0xa9: {  	v4 =	vmul.u32 $0x30, v61  }
0xaa: {  	v3 =	vand.u32 $0x7, v3  }
0xab: {  	v3 =	vor.u32 v3, v4  }
0xac: {  	v4 =	vperm.xlane v3, v0;
	_ =	sdelay $0x1  }
0xad: {  	v4 =	vadd.s32 v1, v4;
	_ =	sdelay $0x1  }
0xae: {  	s29 =	sld [smem:$0x7F4];
	_ =	sdelay $0x1  }
0xaf: {  	s31 =	sld [smem:$0x7F5];
	v3 =	vperm.xlane v3, v2  }
0xb0: {  	[tilespmem:s29], [sflag:$0x2] =	stream.indirect_vreg.gather [hbm4b:s1+s4], $0x80, v4, vm0, $0xb8;
	[tilespmem:$0x19000] =	vst v63  }
0xb1: {  	v3 =	vadd.s32 v1, v3;
	s29 =	sld [smem:$0x7F6]  }
0xb2: {  	[tilespmem:s31], [sflag:$0x2] =	stream.indirect_vreg.gather [hbm4b:s6+s4], $0x80, v4, vm0, $0xb8;
	[tilespmem:$0x19000] =	vst v63  }
0xb3: {  	s31 =	sld [smem:$0x7F7]  }
0xb4: {  	[tilespmem:s29], [sflag:$0x2] =	stream.indirect_vreg.gather [hbm4b:s7+s4], $0x80, v4, vm0, $0xb8;
	[tilespmem:$0x19000] =	vst v63  }
0xb5: {  	s29 =	sld [smem:$0x7F8]  }
0xb6: {  	[tilespmem:s31], [sflag:$0x2] =	stream.indirect_vreg.gather [hbm4b:s1+s4], $0x80, v3, vm0, $0xb8;
	[tilespmem:$0x19000] =	vst v63  }
0xb7: {  	s31 =	sld [smem:$0x7F9]  }
0xb8: {  	[tilespmem:s29], [sflag:$0x2] =	stream.indirect_vreg.gather [hbm4b:s6+s4], $0x80, v3, vm0, $0xb8;
	[tilespmem:$0x19000] =	vst v63  }
0xb9: {  	_ = 	snop  }
0xba: {  	[tilespmem:s31], [sflag:$0x2] =	stream.indirect_vreg.gather [hbm4b:s7+s4], $0x80, v3, vm0, $0xb8;
	[tilespmem:$0x19000] =	vst v63  }
0xbb: {  	v3 =	vld [tilespmem:s26+$0x20];
	_ =	sdelay $0x4  }
0xbc: {  	v62 =	vshrl.u32 v3, $0x3  }
0xbd: {  	v4 =	vmul.u32 $0x30, v62  }
0xbe: {  	v3 =	vand.u32 $0x7, v3  }
0xbf: {  	v3 =	vor.u32 v3, v4  }
0xc0: {  	v4 =	vperm.xlane v3, v0;
	_ =	sdelay $0x1  }
0xc1: {  	v4 =	vadd.s32 v1, v4;
	_ =	sdelay $0x1  }
0xc2: {  	s29 =	sld [smem:$0x7FA];
	_ =	sdelay $0x1  }
0xc3: {  	s31 =	sld [smem:$0x7FB];
	v3 =	vperm.xlane v3, v2  }
0xc4: {  	[tilespmem:s29], [sflag:$0x2] =	stream.indirect_vreg.gather [hbm4b:s1+s4], $0x80, v4, vm0, $0xb8;
	[tilespmem:$0x19000] =	vst v63  }
0xc5: {  	v3 =	vadd.s32 v1, v3;
	s29 =	sld [smem:$0x7FC]  }
0xc6: {  	[tilespmem:s31], [sflag:$0x2] =	stream.indirect_vreg.gather [hbm4b:s6+s4], $0x80, v4, vm0, $0xb8;
	[tilespmem:$0x19000] =	vst v63  }
0xc7: {  	s31 =	sld [smem:$0x7FD]  }
0xc8: {  	[tilespmem:s29], [sflag:$0x2] =	stream.indirect_vreg.gather [hbm4b:s7+s4], $0x80, v4, vm0, $0xb8;
	[tilespmem:$0x19000] =	vst v63  }
0xc9: {  	_ = 	snop  }
0xca: {  	[tilespmem:s31], [sflag:$0x2] =	stream.indirect_vreg.gather [hbm4b:s1+s4], $0x80, v3, vm0, $0xb8;
	[tilespmem:$0x19000] =	vst v63  }
0xcb: {  	_ = 	snop  }
0xcc: {  	[tilespmem:s13], [sflag:$0x2] =	stream.indirect_vreg.gather [hbm4b:s6+s4], $0x80, v3, vm0, $0xb8;
	[tilespmem:$0x19000] =	vst v63  }
0xcd: {  	_ = 	snop  }
0xce: {  	[tilespmem:s14], [sflag:$0x2] =	stream.indirect_vreg.gather [hbm4b:s7+s4], $0x80, v3, vm0, $0xb8;
	[tilespmem:$0x19000] =	vst v63  }
0xcf: {  	v3 =	vld [tilespmem:s26+$0x30];
	_ =	sdelay $0x4  }
0xd0: {  	v63 =	vshrl.u32 v3, $0x3  }
0xd1: {  	v4 =	vmul.u32 $0x30, v63  }
0xd2: {  	v3 =	vand.u32 $0x7, v3  }
0xd3: {  	v3 =	vor.u32 v3, v4  }
0xd4: {  	v4 =	vperm.xlane v3, v0;
	_ =	sdelay $0x1  }
0xd5: {  	v4 =	vadd.s32 v1, v4;
	_ =	sdelay $0x3  }
0xd6: {  	v3 =	vperm.xlane v3, v2  }
0xd7: {  	[tilespmem:s15], [sflag:$0x2] =	stream.indirect_vreg.gather [hbm4b:s1+s4], $0x80, v4, vm0, $0xb8;
	[tilespmem:$0x19000] =	vst v63  }
0xd8: {  	v3 =	vadd.s32 v1, v3  }
0xd9: {  	[tilespmem:s16], [sflag:$0x2] =	stream.indirect_vreg.gather [hbm4b:s6+s4], $0x80, v4, vm0, $0xb8;
	[tilespmem:$0x19000] =	vst v63  }
0xda: {  	_ = 	snop  }
0xdb: {  	[tilespmem:s17], [sflag:$0x2] =	stream.indirect_vreg.gather [hbm4b:s7+s4], $0x80, v4, vm0, $0xb8;
	[tilespmem:$0x19000] =	vst v63  }
0xdc: {  	_ = 	snop  }
0xdd: {  	[tilespmem:s18], [sflag:$0x2] =	stream.indirect_vreg.gather [hbm4b:s1+s4], $0x80, v3, vm0, $0xb8;
	[tilespmem:$0x19000] =	vst v63  }
0xde: {  	_ = 	snop  }
0xdf: {  	[tilespmem:s19], [sflag:$0x2] =	stream.indirect_vreg.gather [hbm4b:s6+s4], $0x80, v3, vm0, $0xb8;
	[tilespmem:$0x19000] =	vst v63  }
0xe0: {  	_ = 	snop  }
0xe1: {  	[tilespmem:s20], [sflag:$0x2] =	stream.indirect_vreg.gather [hbm4b:s7+s4], $0x80, v3, vm0, $0xb8;
	[tilespmem:$0x19000] =	vst v63  }
0xe2: {  	s30 =	smov.u32 s28;
	_ =	swait.ge [sflag:s21], $0xC000  }
0xe3: {  	s28 =	sadd.s32 $0x80, s28;
	s30 =	simm.s32 @p0 $0x0;
	s31 =	rddreg [dreg:$0x4]  }
0xe4: {  	p0 =	sne.s32 s28, $0x800;
	s29 =	sadd.s32 s31, s30  }
.Ltmp0:
0xe5: {  	s29 =	sshrl.u32 s29, $0x3;
	(pc) =	sbr.rel @p0 .LBB2_2-.Ltmp0, $4  }
0xe6: {  	s29 =	smul.u32 $0x300, s29  }
0xe7: {  	[sflag:s21] =	ssyncset.done $0x0  }
0xe8: {  	s26 =	sadd.s32 $0x100, s26;
	[sflag:s21] =	ssyncadd.s32 $0xFFFF4000;
	s29 =	sadd.s32 s3, s29  }
0xe9: {  	[hbm4b:s29+s4] =	stream.linear.scatter [tilespmem:s11], [sflag:$0x3], $0xC000, $0x38;
	[tilespmem:$0x19000] =	vst v63  }
0xea: {  	_ =	swait.ge [sflag:s22], $0xC000  }
0xeb: {  	[sflag:s22] =	ssyncset.done $0x0  }
0xec: {  	s25 =	sadd.s32 $0x1, s25;
	[sflag:s22] =	ssyncadd.s32 $0xFFFF4000  }
0xed: {  	[hbm4b:s8+s4] =	stream.linear.scatter [tilespmem:s12], [sflag:$0x4], $0xC000, $0x38;
	[tilespmem:$0x19000] =	vst v63  }
0xee: {  	p0 =	sne.s32 s25, s9;
	_ =	swait.ge [sflag:s23], $0xC000  }
.Ltmp1:
0xef: {  	[sflag:s23] =	ssyncset.done $0x0;
	(pc) =	sbr.rel @p0 .LBB2_1-.Ltmp1, $4  }
0xf0: {  	[sflag:s23] =	ssyncadd.s32 $0xFFFF4000  }
0xf1: {  	_ =	swait.ge [sflag:s24], $0xC000  }
0xf2: {  	[sflag:s24] =	ssyncset.done $0x0  }
0xf3: {  	[sflag:s24] =	ssyncadd.s32 $0xFFFF4000  }
0xf4: {  	_ =	sfence.sel $0x180000  }
0xf5: {  	[bflag:$0x0] =	sbarrier.arrive $0xFFFF  }
0xf6: {  	p0 =	sne.s32 s2, $0x0;
	_ =	strace $0x90000047  }
0xf7: {  	s0 =	sadd.s32 @!p0 $0x100000, s0;
	[bflag:$0x2] =	sbarrier.arrive $0xFFFF  }
0xf8: {  	[sflag:s0] =	ssyncadd.tile.s32 @!p0 $0x1;
	_ =	shalt  }
.Lfunc_end2:
_tile_overlayer_lowered:
.L_overlay_start_2:
0xf9: {  	(tag) =	ssettag $0x2  }
0xfa: {  	s0 =	rddreg [dreg:$0x0];
	s2 =	stileid.u32  }
0xfb: {  	s1 =	rddreg [dreg:$0x1];
	p0 =	sne.s32 s2, $0x0  }
0xfc: {  	s3 =	rddreg [dreg:$0x2];
	[bflag:$0x3] =	sbarrier.arrive $0xFFFF;
	s2 =	simm.s32 @!p0 $0x1C05  }
0xfd: {  	[timem:s3], [sflag:s2] =	dma.local @!p0 [hbm:s0], s1  }
0xfe: {  	s0 =	simm.s32 @!p0 $0x5  }
0xff: {  	_ =	swait.ge @!p0 [sflag:s0], s1  }
0x100: {  	s1 =	ssub.s32 @!p0 $0x0, s1;
	[sflag:s0] =	ssyncset.done @!p0 $0x0  }
0x101: {  	[sflag:s0] =	ssyncadd.s32 @!p0 s1  }
0x102: {  	[bflag:$0x3] =	sbarrier.arrive $0xFFFF  }
0x103: {  	_ =	shalt  }

</sc_bundles>
